<compile_context>
chip_gen: v7x
topology: tpu7x:2x2x1
jax: 0.10.2.dev20260603
libtpu: 0.0.44.dev20260713+nightly
codegen_flags: <defaults>
</compile_context>

<pallas_src>
import jax
import jax.numpy as jnp
from jax import lax
from jax.experimental import pallas as pl
from jax.experimental.pallas import tpu as pltpu
from jax.experimental.pallas import tpu_sc as plsc

_S_SPARSE = 128
_S_FULL = 4096
_D_DET = 1024
_NW = 16
_RPW = _S_SPARSE // _NW
_CH = 2048
_NCH = _S_FULL // _CH


def _tc_copy_body(pred_vmem, out_vmem):
    out_vmem[...] = pred_vmem[...]


def _sc_scatter_body(sparse_hbm, out_hbm, srows, sem_l, sem_s):
    wid = lax.axis_index("s")
    pltpu.async_copy(sparse_hbm.at[pl.ds(wid * _RPW, _RPW)], srows, sem_l).wait()
    handles = []
    for j in range(_RPW):
        b = wid * _RPW + j
        vi = (b * 4095) // 127
        handles.append(
            pltpu.async_copy(srows.at[pl.ds(j, 1)], out_hbm.at[pl.ds(vi, 1)], sem_s))
    for h in handles:
        h.wait()


def kernel(sinogram_sparse, sinogram_pred):
    sp = sinogram_sparse.reshape(_S_SPARSE, _D_DET)
    pr = sinogram_pred.reshape(_S_FULL, _D_DET)
    copied = pl.pallas_call(
        _tc_copy_body,
        grid=(_NCH,),
        in_specs=[pl.BlockSpec((_CH, _D_DET), lambda i: (i, 0))],
        out_specs=pl.BlockSpec((_CH, _D_DET), lambda i: (i, 0)),
        out_shape=jax.ShapeDtypeStruct((_S_FULL, _D_DET), jnp.float32),
    )(pr)
    out_ref = jax.new_ref(copied)
    pl.kernel(
        _sc_scatter_body,
        out_type=(),
        mesh=plsc.VectorSubcoreMesh(
            core_axis_name="c", subcore_axis_name="s", num_cores=1),
        scratch_types=[
            pltpu.VMEM((_RPW, _D_DET), jnp.float32),
            pltpu.SemaphoreType.DMA,
            pltpu.SemaphoreType.DMA,
        ],
    )(sp, out_ref)
    return out_ref[...][None, None, :, :]

# --- scband reference (transcript-rebuilt; emitter-appended) ---
"""Pipeline reference for scband-updata-sinogram-82995948028184 (READ-ONLY COPY).

The authoritative reference and input builder live on the scoring server;
editing this copy changes nothing except your own understanding.
"""

import jax, jax.numpy as jnp
import numpy as np

S_SPARSE = 128
S_FULL = 4096
D_DET = 1024


def setup_inputs(seed: int = 0) -> dict:
    key = jax.random.key(seed)
    k1, k2 = jax.random.split(key)
    sinogram_sparse = jax.random.normal(k1, (1, 1, S_SPARSE, D_DET), dtype=jnp.float32)
    sinogram_pred = jax.random.normal(k2, (1, 1, S_FULL, D_DET), dtype=jnp.float32)
    return {"sinogram_sparse": sinogram_sparse, "sinogram_pred": sinogram_pred}


def reference(sinogram_sparse, sinogram_pred):
    # Faithful translation of UpdataSinogram.forward / Updata_sinogram.__call__
    sinogram_p = sinogram_pred[0, 0, :, :]
    sinogram_s = sinogram_sparse[0, 0, :, :]
    # evenly spaced view indices (static, derived from shapes)
    view_index = np.linspace(0, sinogram_p.shape[0] - 1, sinogram_s.shape[0]).astype(np.int32)
    view_index = jnp.asarray(view_index)
    # scatter-overwrite measured sparse views into predicted dense sinogram
    out = sinogram_p.at[view_index].set(sinogram_s)
    return out[None, None, :, :]

if __name__ == "__main__":
    import jax
    _d = setup_inputs()
    print(jax.jit(kernel)(*tuple(_d.values())))

</pallas_src>

<mosaic_0001>
#map = affine_map<(d0, d1) -> (0, 0)>
module attributes {stable_mosaic.version = 14 : i64} {
  func.func @new_body(%arg0: i32, %arg1: i32, %arg2: memref<128x1024xf32, #tpu.memory_space<hbm>>, %arg3: memref<4096x1024xf32, #tpu.memory_space<hbm>>, %arg4: memref<4096x1024xf32, #tpu.memory_space<hbm>>, %arg5: memref<8x1024xf32, #tpu.memory_space<vmem>>, %arg6: memref<!tpu.dma_semaphore, #tpu.memory_space<semaphore_mem>>, %arg7: memref<!tpu.dma_semaphore, #tpu.memory_space<semaphore_mem>>) attributes {dimension_semantics = [#tpu.dimension_semantics<core_parallel>, #tpu.dimension_semantics<subcore_parallel>], iteration_bounds = array<i64: 1, 16>, scalar_prefetch = 0 : i64, scratch_operands = 3 : i64, tpu.core_type = #tpu.core_type<sc_vector_subcore>, window_params = [{transform_indices = #map}, {transform_indices = #map}, {transform_indices = #map}]} {
    %mul3A = arith.constant 8 : i32
    %mul3A_0 = arith.muli %arg1, %mul3A : i32
    %dma_start3A = arith.constant 0 : i32
    %dma_start3A_1 = tpu.memref_slice %arg2[%mul3A_0, %dma_start3A] : memref<128x1024xf32, #tpu.memory_space<hbm>> -> memref<8x1024xf32, #tpu.memory_space<hbm>>
    %dma_start3A_2 = arith.constant 0 : i32
    %dma_start3A_3 = tpu.memref_slice %arg2[%mul3A_0, %dma_start3A_2] : memref<128x1024xf32, #tpu.memory_space<hbm>> -> memref<8x1024xf32, #tpu.memory_space<hbm>>
    tpu.enqueue_dma source(%dma_start3A_3 : memref<8x1024xf32, #tpu.memory_space<hbm>>) target(%arg5 : memref<8x1024xf32, #tpu.memory_space<vmem>>) target_semaphore(%arg6 : memref<!tpu.dma_semaphore, #tpu.memory_space<semaphore_mem>>)
    %dma_wait3A = arith.constant 0 : i32
    %dma_wait3A_4 = tpu.memref_slice %arg2[%mul3A_0, %dma_wait3A] : memref<128x1024xf32, #tpu.memory_space<hbm>> -> memref<8x1024xf32, #tpu.memory_space<hbm>>
    %dma_wait3A_5 = arith.constant 0 : i32
    %dma_wait3A_6 = tpu.memref_slice %arg2[%mul3A_0, %dma_wait3A_5] : memref<128x1024xf32, #tpu.memory_space<hbm>> -> memref<8x1024xf32, #tpu.memory_space<hbm>>
    tpu.wait_dma2 semaphore(%arg6 : memref<!tpu.dma_semaphore, #tpu.memory_space<semaphore_mem>>) src(%dma_wait3A_6 : memref<8x1024xf32, #tpu.memory_space<hbm>>) dst(%arg5 : memref<8x1024xf32, #tpu.memory_space<vmem>>)
    %mul3A_7 = arith.constant 8 : i32
    %mul3A_8 = arith.muli %arg1, %mul3A_7 : i32
    %add3A = arith.constant 0 : i32
    %add3A_9 = arith.addi %mul3A_8, %add3A : i32
    %mul3A_10 = arith.constant 4095 : i32
    %mul3A_11 = arith.muli %add3A_9, %mul3A_10 : i32
    %jit3A = arith.constant 127 : i32
    %div3A = arith.divsi %mul3A_11, %jit3A : i32
    %sign3A = arith.constant 0 : i32
    %sign3A_12 = arith.cmpi sgt, %mul3A_11, %sign3A : i32
    %sign3A_13 = arith.extui %sign3A_12 : i1 to i32
    %sign3A_14 = arith.constant 0 : i32
    %sign3A_15 = arith.cmpi slt, %mul3A_11, %sign3A_14 : i32
    %sign3A_16 = arith.extui %sign3A_15 : i1 to i32
    %sign3A_17 = arith.subi %sign3A_13, %sign3A_16 : i32
    %sign3A_18 = arith.constant 0 : i32
    %sign3A_19 = arith.cmpi sgt, %jit3A, %sign3A_18 : i32
    %sign3A_20 = arith.extui %sign3A_19 : i1 to i32
    %sign3A_21 = arith.constant 0 : i32
    %sign3A_22 = arith.cmpi slt, %jit3A, %sign3A_21 : i32
    %sign3A_23 = arith.extui %sign3A_22 : i1 to i32
    %sign3A_24 = arith.subi %sign3A_20, %sign3A_23 : i32
    %ne3A = arith.cmpi ne, %sign3A_17, %sign3A_24 : i32
    %rem3A = arith.remsi %mul3A_11, %jit3A : i32
    %ne3A_25 = arith.constant 0 : i32
    %ne3A_26 = arith.cmpi ne, %rem3A, %ne3A_25 : i32
    %and3A = arith.andi %ne3A, %ne3A_26 : i1
    %sub3A = arith.constant 1 : i32
    %sub3A_27 = arith.subi %div3A, %sub3A : i32
    %select_n3A = arith.select %and3A, %sub3A_27, %div3A : i32
    %dma_start3A_28 = arith.constant 0 : i32
    %dma_start3A_29 = arith.constant 0 : i32
    %dma_start3A_30 = tpu.memref_slice %arg5[%dma_start3A_28, %dma_start3A_29] : memref<8x1024xf32, #tpu.memory_space<vmem>> -> memref<1x1024xf32, #tpu.memory_space<vmem>>
    %dma_start3A_31 = arith.constant 0 : i32
    %dma_start3A_32 = tpu.memref_slice %arg3[%select_n3A, %dma_start3A_31] : memref<4096x1024xf32, #tpu.memory_space<hbm>> -> memref<1x1024xf32, #tpu.memory_space<hbm>>
    %dma_start3A_33 = arith.constant 0 : i32
    %dma_start3A_34 = tpu.memref_slice %arg3[%select_n3A, %dma_start3A_33] : memref<4096x1024xf32, #tpu.memory_space<hbm>> -> memref<1x1024xf32, #tpu.memory_space<hbm>>
    %dma_start3A_35 = arith.constant 0 : i32
    %dma_start3A_36 = arith.constant 0 : i32
    %dma_start3A_37 = tpu.memref_slice %arg5[%dma_start3A_35, %dma_start3A_36] : memref<8x1024xf32, #tpu.memory_space<vmem>> -> memref<1x1024xf32, #tpu.memory_space<vmem>>
    tpu.enqueue_dma source(%dma_start3A_37 : memref<1x1024xf32, #tpu.memory_space<vmem>>) target(%dma_start3A_34 : memref<1x1024xf32, #tpu.memory_space<hbm>>) target_semaphore(%arg7 : memref<!tpu.dma_semaphore, #tpu.memory_space<semaphore_mem>>)
    %mul3A_38 = arith.constant 8 : i32
    %mul3A_39 = arith.muli %arg1, %mul3A_38 : i32
    %add3A_40 = arith.constant 1 : i32
    %add3A_41 = arith.addi %mul3A_39, %add3A_40 : i32
    %mul3A_42 = arith.constant 4095 : i32
    %mul3A_43 = arith.muli %add3A_41, %mul3A_42 : i32
    %jit3A_44 = arith.constant 127 : i32
    %div3A_45 = arith.divsi %mul3A_43, %jit3A_44 : i32
    %sign3A_46 = arith.constant 0 : i32
    %sign3A_47 = arith.cmpi sgt, %mul3A_43, %sign3A_46 : i32
    %sign3A_48 = arith.extui %sign3A_47 : i1 to i32
    %sign3A_49 = arith.constant 0 : i32
    %sign3A_50 = arith.cmpi slt, %mul3A_43, %sign3A_49 : i32
    %sign3A_51 = arith.extui %sign3A_50 : i1 to i32
    %sign3A_52 = arith.subi %sign3A_48, %sign3A_51 : i32
    %sign3A_53 = arith.constant 0 : i32
    %sign3A_54 = arith.cmpi sgt, %jit3A_44, %sign3A_53 : i32
    %sign3A_55 = arith.extui %sign3A_54 : i1 to i32
    %sign3A_56 = arith.constant 0 : i32
    %sign3A_57 = arith.cmpi slt, %jit3A_44, %sign3A_56 : i32
    %sign3A_58 = arith.extui %sign3A_57 : i1 to i32
    %sign3A_59 = arith.subi %sign3A_55, %sign3A_58 : i32
    %ne3A_60 = arith.cmpi ne, %sign3A_52, %sign3A_59 : i32
    %rem3A_61 = arith.remsi %mul3A_43, %jit3A_44 : i32
    %ne3A_62 = arith.constant 0 : i32
    %ne3A_63 = arith.cmpi ne, %rem3A_61, %ne3A_62 : i32
    %and3A_64 = arith.andi %ne3A_60, %ne3A_63 : i1
    %sub3A_65 = arith.constant 1 : i32
    %sub3A_66 = arith.subi %div3A_45, %sub3A_65 : i32
    %select_n3A_67 = arith.select %and3A_64, %sub3A_66, %div3A_45 : i32
    %dma_start3A_68 = arith.constant 1 : i32
    %dma_start3A_69 = arith.constant 0 : i32
    %dma_start3A_70 = tpu.memref_slice %arg5[%dma_start3A_68, %dma_start3A_69] : memref<8x1024xf32, #tpu.memory_space<vmem>> -> memref<1x1024xf32, #tpu.memory_space<vmem>>
    %dma_start3A_71 = arith.constant 0 : i32
    %dma_start3A_72 = tpu.memref_slice %arg3[%select_n3A_67, %dma_start3A_71] : memref<4096x1024xf32, #tpu.memory_space<hbm>> -> memref<1x1024xf32, #tpu.memory_space<hbm>>
    %dma_start3A_73 = arith.constant 0 : i32
    %dma_start3A_74 = tpu.memref_slice %arg3[%select_n3A_67, %dma_start3A_73] : memref<4096x1024xf32, #tpu.memory_space<hbm>> -> memref<1x1024xf32, #tpu.memory_space<hbm>>
    %dma_start3A_75 = arith.constant 1 : i32
    %dma_start3A_76 = arith.constant 0 : i32
    %dma_start3A_77 = tpu.memref_slice %arg5[%dma_start3A_75, %dma_start3A_76] : memref<8x1024xf32, #tpu.memory_space<vmem>> -> memref<1x1024xf32, #tpu.memory_space<vmem>>
    tpu.enqueue_dma source(%dma_start3A_77 : memref<1x1024xf32, #tpu.memory_space<vmem>>) target(%dma_start3A_74 : memref<1x1024xf32, #tpu.memory_space<hbm>>) target_semaphore(%arg7 : memref<!tpu.dma_semaphore, #tpu.memory_space<semaphore_mem>>)
    %mul3A_78 = arith.constant 8 : i32
    %mul3A_79 = arith.muli %arg1, %mul3A_78 : i32
    %add3A_80 = arith.constant 2 : i32
    %add3A_81 = arith.addi %mul3A_79, %add3A_80 : i32
    %mul3A_82 = arith.constant 4095 : i32
    %mul3A_83 = arith.muli %add3A_81, %mul3A_82 : i32
    %jit3A_84 = arith.constant 127 : i32
    %div3A_85 = arith.divsi %mul3A_83, %jit3A_84 : i32
    %sign3A_86 = arith.constant 0 : i32
    %sign3A_87 = arith.cmpi sgt, %mul3A_83, %sign3A_86 : i32
    %sign3A_88 = arith.extui %sign3A_87 : i1 to i32
    %sign3A_89 = arith.constant 0 : i32
    %sign3A_90 = arith.cmpi slt, %mul3A_83, %sign3A_89 : i32
    %sign3A_91 = arith.extui %sign3A_90 : i1 to i32
    %sign3A_92 = arith.subi %sign3A_88, %sign3A_91 : i32
    %sign3A_93 = arith.constant 0 : i32
    %sign3A_94 = arith.cmpi sgt, %jit3A_84, %sign3A_93 : i32
    %sign3A_95 = arith.extui %sign3A_94 : i1 to i32
    %sign3A_96 = arith.constant 0 : i32
    %sign3A_97 = arith.cmpi slt, %jit3A_84, %sign3A_96 : i32
    %sign3A_98 = arith.extui %sign3A_97 : i1 to i32
    %sign3A_99 = arith.subi %sign3A_95, %sign3A_98 : i32
    %ne3A_100 = arith.cmpi ne, %sign3A_92, %sign3A_99 : i32
    %rem3A_101 = arith.remsi %mul3A_83, %jit3A_84 : i32
    %ne3A_102 = arith.constant 0 : i32
    %ne3A_103 = arith.cmpi ne, %rem3A_101, %ne3A_102 : i32
    %and3A_104 = arith.andi %ne3A_100, %ne3A_103 : i1
    %sub3A_105 = arith.constant 1 : i32
    %sub3A_106 = arith.subi %div3A_85, %sub3A_105 : i32
    %select_n3A_107 = arith.select %and3A_104, %sub3A_106, %div3A_85 : i32
    %dma_start3A_108 = arith.constant 2 : i32
    %dma_start3A_109 = arith.constant 0 : i32
    %dma_start3A_110 = tpu.memref_slice %arg5[%dma_start3A_108, %dma_start3A_109] : memref<8x1024xf32, #tpu.memory_space<vmem>> -> memref<1x1024xf32, #tpu.memory_space<vmem>>
    %dma_start3A_111 = arith.constant 0 : i32
    %dma_start3A_112 = tpu.memref_slice %arg3[%select_n3A_107, %dma_start3A_111] : memref<4096x1024xf32, #tpu.memory_space<hbm>> -> memref<1x1024xf32, #tpu.memory_space<hbm>>
    %dma_start3A_113 = arith.constant 0 : i32
    %dma_start3A_114 = tpu.memref_slice %arg3[%select_n3A_107, %dma_start3A_113] : memref<4096x1024xf32, #tpu.memory_space<hbm>> -> memref<1x1024xf32, #tpu.memory_space<hbm>>
    %dma_start3A_115 = arith.constant 2 : i32
    %dma_start3A_116 = arith.constant 0 : i32
    %dma_start3A_117 = tpu.memref_slice %arg5[%dma_start3A_115, %dma_start3A_116] : memref<8x1024xf32, #tpu.memory_space<vmem>> -> memref<1x1024xf32, #tpu.memory_space<vmem>>
    tpu.enqueue_dma source(%dma_start3A_117 : memref<1x1024xf32, #tpu.memory_space<vmem>>) target(%dma_start3A_114 : memref<1x1024xf32, #tpu.memory_space<hbm>>) target_semaphore(%arg7 : memref<!tpu.dma_semaphore, #tpu.memory_space<semaphore_mem>>)
    %mul3A_118 = arith.constant 8 : i32
    %mul3A_119 = arith.muli %arg1, %mul3A_118 : i32
    %add3A_120 = arith.constant 3 : i32
    %add3A_121 = arith.addi %mul3A_119, %add3A_120 : i32
    %mul3A_122 = arith.constant 4095 : i32
    %mul3A_123 = arith.muli %add3A_121, %mul3A_122 : i32
    %jit3A_124 = arith.constant 127 : i32
    %div3A_125 = arith.divsi %mul3A_123, %jit3A_124 : i32
    %sign3A_126 = arith.constant 0 : i32
    %sign3A_127 = arith.cmpi sgt, %mul3A_123, %sign3A_126 : i32
    %sign3A_128 = arith.extui %sign3A_127 : i1 to i32
    %sign3A_129 = arith.constant 0 : i32
    %sign3A_130 = arith.cmpi slt, %mul3A_123, %sign3A_129 : i32
    %sign3A_131 = arith.extui %sign3A_130 : i1 to i32
    %sign3A_132 = arith.subi %sign3A_128, %sign3A_131 : i32
    %sign3A_133 = arith.constant 0 : i32
    %sign3A_134 = arith.cmpi sgt, %jit3A_124, %sign3A_133 : i32
    %sign3A_135 = arith.extui %sign3A_134 : i1 to i32
    %sign3A_136 = arith.constant 0 : i32
    %sign3A_137 = arith.cmpi slt, %jit3A_124, %sign3A_136 : i32
    %sign3A_138 = arith.extui %sign3A_137 : i1 to i32
    %sign3A_139 = arith.subi %sign3A_135, %sign3A_138 : i32
    %ne3A_140 = arith.cmpi ne, %sign3A_132, %sign3A_139 : i32
    %rem3A_141 = arith.remsi %mul3A_123, %jit3A_124 : i32
    %ne3A_142 = arith.constant 0 : i32
    %ne3A_143 = arith.cmpi ne, %rem3A_141, %ne3A_142 : i32
    %and3A_144 = arith.andi %ne3A_140, %ne3A_143 : i1
    %sub3A_145 = arith.constant 1 : i32
    %sub3A_146 = arith.subi %div3A_125, %sub3A_145 : i32
    %select_n3A_147 = arith.select %and3A_144, %sub3A_146, %div3A_125 : i32
    %dma_start3A_148 = arith.constant 3 : i32
    %dma_start3A_149 = arith.constant 0 : i32
    %dma_start3A_150 = tpu.memref_slice %arg5[%dma_start3A_148, %dma_start3A_149] : memref<8x1024xf32, #tpu.memory_space<vmem>> -> memref<1x1024xf32, #tpu.memory_space<vmem>>
    %dma_start3A_151 = arith.constant 0 : i32
    %dma_start3A_152 = tpu.memref_slice %arg3[%select_n3A_147, %dma_start3A_151] : memref<4096x1024xf32, #tpu.memory_space<hbm>> -> memref<1x1024xf32, #tpu.memory_space<hbm>>
    %dma_start3A_153 = arith.constant 0 : i32
    %dma_start3A_154 = tpu.memref_slice %arg3[%select_n3A_147, %dma_start3A_153] : memref<4096x1024xf32, #tpu.memory_space<hbm>> -> memref<1x1024xf32, #tpu.memory_space<hbm>>
    %dma_start3A_155 = arith.constant 3 : i32
    %dma_start3A_156 = arith.constant 0 : i32
    %dma_start3A_157 = tpu.memref_slice %arg5[%dma_start3A_155, %dma_start3A_156] : memref<8x1024xf32, #tpu.memory_space<vmem>> -> memref<1x1024xf32, #tpu.memory_space<vmem>>
    tpu.enqueue_dma source(%dma_start3A_157 : memref<1x1024xf32, #tpu.memory_space<vmem>>) target(%dma_start3A_154 : memref<1x1024xf32, #tpu.memory_space<hbm>>) target_semaphore(%arg7 : memref<!tpu.dma_semaphore, #tpu.memory_space<semaphore_mem>>)
    %mul3A_158 = arith.constant 8 : i32
    %mul3A_159 = arith.muli %arg1, %mul3A_158 : i32
    %add3A_160 = arith.constant 4 : i32
    %add3A_161 = arith.addi %mul3A_159, %add3A_160 : i32
    %mul3A_162 = arith.constant 4095 : i32
    %mul3A_163 = arith.muli %add3A_161, %mul3A_162 : i32
    %jit3A_164 = arith.constant 127 : i32
    %div3A_165 = arith.divsi %mul3A_163, %jit3A_164 : i32
    %sign3A_166 = arith.constant 0 : i32
    %sign3A_167 = arith.cmpi sgt, %mul3A_163, %sign3A_166 : i32
    %sign3A_168 = arith.extui %sign3A_167 : i1 to i32
    %sign3A_169 = arith.constant 0 : i32
    %sign3A_170 = arith.cmpi slt, %mul3A_163, %sign3A_169 : i32
    %sign3A_171 = arith.extui %sign3A_170 : i1 to i32
    %sign3A_172 = arith.subi %sign3A_168, %sign3A_171 : i32
    %sign3A_173 = arith.constant 0 : i32
    %sign3A_174 = arith.cmpi sgt, %jit3A_164, %sign3A_173 : i32
    %sign3A_175 = arith.extui %sign3A_174 : i1 to i32
    %sign3A_176 = arith.constant 0 : i32
    %sign3A_177 = arith.cmpi slt, %jit3A_164, %sign3A_176 : i32
    %sign3A_178 = arith.extui %sign3A_177 : i1 to i32
    %sign3A_179 = arith.subi %sign3A_175, %sign3A_178 : i32
    %ne3A_180 = arith.cmpi ne, %sign3A_172, %sign3A_179 : i32
    %rem3A_181 = arith.remsi %mul3A_163, %jit3A_164 : i32
    %ne3A_182 = arith.constant 0 : i32
    %ne3A_183 = arith.cmpi ne, %rem3A_181, %ne3A_182 : i32
    %and3A_184 = arith.andi %ne3A_180, %ne3A_183 : i1
    %sub3A_185 = arith.constant 1 : i32
    %sub3A_186 = arith.subi %div3A_165, %sub3A_185 : i32
    %select_n3A_187 = arith.select %and3A_184, %sub3A_186, %div3A_165 : i32
    %dma_start3A_188 = arith.constant 4 : i32
    %dma_start3A_189 = arith.constant 0 : i32
    %dma_start3A_190 = tpu.memref_slice %arg5[%dma_start3A_188, %dma_start3A_189] : memref<8x1024xf32, #tpu.memory_space<vmem>> -> memref<1x1024xf32, #tpu.memory_space<vmem>>
    %dma_start3A_191 = arith.constant 0 : i32
    %dma_start3A_192 = tpu.memref_slice %arg3[%select_n3A_187, %dma_start3A_191] : memref<4096x1024xf32, #tpu.memory_space<hbm>> -> memref<1x1024xf32, #tpu.memory_space<hbm>>
    %dma_start3A_193 = arith.constant 0 : i32
    %dma_start3A_194 = tpu.memref_slice %arg3[%select_n3A_187, %dma_start3A_193] : memref<4096x1024xf32, #tpu.memory_space<hbm>> -> memref<1x1024xf32, #tpu.memory_space<hbm>>
    %dma_start3A_195 = arith.constant 4 : i32
    %dma_start3A_196 = arith.constant 0 : i32
    %dma_start3A_197 = tpu.memref_slice %arg5[%dma_start3A_195, %dma_start3A_196] : memref<8x1024xf32, #tpu.memory_space<vmem>> -> memref<1x1024xf32, #tpu.memory_space<vmem>>
    tpu.enqueue_dma source(%dma_start3A_197 : memref<1x1024xf32, #tpu.memory_space<vmem>>) target(%dma_start3A_194 : memref<1x1024xf32, #tpu.memory_space<hbm>>) target_semaphore(%arg7 : memref<!tpu.dma_semaphore, #tpu.memory_space<semaphore_mem>>)
    %mul3A_198 = arith.constant 8 : i32
    %mul3A_199 = arith.muli %arg1, %mul3A_198 : i32
    %add3A_200 = arith.constant 5 : i32
    %add3A_201 = arith.addi %mul3A_199, %add3A_200 : i32
    %mul3A_202 = arith.constant 4095 : i32
    %mul3A_203 = arith.muli %add3A_201, %mul3A_202 : i32
    %jit3A_204 = arith.constant 127 : i32
    %div3A_205 = arith.divsi %mul3A_203, %jit3A_204 : i32
    %sign3A_206 = arith.constant 0 : i32
    %sign3A_207 = arith.cmpi sgt, %mul3A_203, %sign3A_206 : i32
    %sign3A_208 = arith.extui %sign3A_207 : i1 to i32
    %sign3A_209 = arith.constant 0 : i32
    %sign3A_210 = arith.cmpi slt, %mul3A_203, %sign3A_209 : i32
    %sign3A_211 = arith.extui %sign3A_210 : i1 to i32
    %sign3A_212 = arith.subi %sign3A_208, %sign3A_211 : i32
    %sign3A_213 = arith.constant 0 : i32
    %sign3A_214 = arith.cmpi sgt, %jit3A_204, %sign3A_213 : i32
    %sign3A_215 = arith.extui %sign3A_214 : i1 to i32
    %sign3A_216 = arith.constant 0 : i32
    %sign3A_217 = arith.cmpi slt, %jit3A_204, %sign3A_216 : i32
    %sign3A_218 = arith.extui %sign3A_217 : i1 to i32
    %sign3A_219 = arith.subi %sign3A_215, %sign3A_218 : i32
    %ne3A_220 = arith.cmpi ne, %sign3A_212, %sign3A_219 : i32
    %rem3A_221 = arith.remsi %mul3A_203, %jit3A_204 : i32
    %ne3A_222 = arith.constant 0 : i32
    %ne3A_223 = arith.cmpi ne, %rem3A_221, %ne3A_222 : i32
    %and3A_224 = arith.andi %ne3A_220, %ne3A_223 : i1
    %sub3A_225 = arith.constant 1 : i32
    %sub3A_226 = arith.subi %div3A_205, %sub3A_225 : i32
    %select_n3A_227 = arith.select %and3A_224, %sub3A_226, %div3A_205 : i32
    %dma_start3A_228 = arith.constant 5 : i32
    %dma_start3A_229 = arith.constant 0 : i32
    %dma_start3A_230 = tpu.memref_slice %arg5[%dma_start3A_228, %dma_start3A_229] : memref<8x1024xf32, #tpu.memory_space<vmem>> -> memref<1x1024xf32, #tpu.memory_space<vmem>>
    %dma_start3A_231 = arith.constant 0 : i32
    %dma_start3A_232 = tpu.memref_slice %arg3[%select_n3A_227, %dma_start3A_231] : memref<4096x1024xf32, #tpu.memory_space<hbm>> -> memref<1x1024xf32, #tpu.memory_space<hbm>>
    %dma_start3A_233 = arith.constant 0 : i32
    %dma_start3A_234 = tpu.memref_slice %arg3[%select_n3A_227, %dma_start3A_233] : memref<4096x1024xf32, #tpu.memory_space<hbm>> -> memref<1x1024xf32, #tpu.memory_space<hbm>>
    %dma_start3A_235 = arith.constant 5 : i32
    %dma_start3A_236 = arith.constant 0 : i32
    %dma_start3A_237 = tpu.memref_slice %arg5[%dma_start3A_235, %dma_start3A_236] : memref<8x1024xf32, #tpu.memory_space<vmem>> -> memref<1x1024xf32, #tpu.memory_space<vmem>>
    tpu.enqueue_dma source(%dma_start3A_237 : memref<1x1024xf32, #tpu.memory_space<vmem>>) target(%dma_start3A_234 : memref<1x1024xf32, #tpu.memory_space<hbm>>) target_semaphore(%arg7 : memref<!tpu.dma_semaphore, #tpu.memory_space<semaphore_mem>>)
    %mul3A_238 = arith.constant 8 : i32
    %mul3A_239 = arith.muli %arg1, %mul3A_238 : i32
    %add3A_240 = arith.constant 6 : i32
    %add3A_241 = arith.addi %mul3A_239, %add3A_240 : i32
    %mul3A_242 = arith.constant 4095 : i32
    %mul3A_243 = arith.muli %add3A_241, %mul3A_242 : i32
    %jit3A_244 = arith.constant 127 : i32
    %div3A_245 = arith.divsi %mul3A_243, %jit3A_244 : i32
    %sign3A_246 = arith.constant 0 : i32
    %sign3A_247 = arith.cmpi sgt, %mul3A_243, %sign3A_246 : i32
    %sign3A_248 = arith.extui %sign3A_247 : i1 to i32
    %sign3A_249 = arith.constant 0 : i32
    %sign3A_250 = arith.cmpi slt, %mul3A_243, %sign3A_249 : i32
    %sign3A_251 = arith.extui %sign3A_250 : i1 to i32
    %sign3A_252 = arith.subi %sign3A_248, %sign3A_251 : i32
    %sign3A_253 = arith.constant 0 : i32
    %sign3A_254 = arith.cmpi sgt, %jit3A_244, %sign3A_253 : i32
    %sign3A_255 = arith.extui %sign3A_254 : i1 to i32
    %sign3A_256 = arith.constant 0 : i32
    %sign3A_257 = arith.cmpi slt, %jit3A_244, %sign3A_256 : i32
    %sign3A_258 = arith.extui %sign3A_257 : i1 to i32
    %sign3A_259 = arith.subi %sign3A_255, %sign3A_258 : i32
    %ne3A_260 = arith.cmpi ne, %sign3A_252, %sign3A_259 : i32
    %rem3A_261 = arith.remsi %mul3A_243, %jit3A_244 : i32
    %ne3A_262 = arith.constant 0 : i32
    %ne3A_263 = arith.cmpi ne, %rem3A_261, %ne3A_262 : i32
    %and3A_264 = arith.andi %ne3A_260, %ne3A_263 : i1
    %sub3A_265 = arith.constant 1 : i32
    %sub3A_266 = arith.subi %div3A_245, %sub3A_265 : i32
    %select_n3A_267 = arith.select %and3A_264, %sub3A_266, %div3A_245 : i32
    %dma_start3A_268 = arith.constant 6 : i32
    %dma_start3A_269 = arith.constant 0 : i32
    %dma_start3A_270 = tpu.memref_slice %arg5[%dma_start3A_268, %dma_start3A_269] : memref<8x1024xf32, #tpu.memory_space<vmem>> -> memref<1x1024xf32, #tpu.memory_space<vmem>>
    %dma_start3A_271 = arith.constant 0 : i32
    %dma_start3A_272 = tpu.memref_slice %arg3[%select_n3A_267, %dma_start3A_271] : memref<4096x1024xf32, #tpu.memory_space<hbm>> -> memref<1x1024xf32, #tpu.memory_space<hbm>>
    %dma_start3A_273 = arith.constant 0 : i32
    %dma_start3A_274 = tpu.memref_slice %arg3[%select_n3A_267, %dma_start3A_273] : memref<4096x1024xf32, #tpu.memory_space<hbm>> -> memref<1x1024xf32, #tpu.memory_space<hbm>>
    %dma_start3A_275 = arith.constant 6 : i32
    %dma_start3A_276 = arith.constant 0 : i32
    %dma_start3A_277 = tpu.memref_slice %arg5[%dma_start3A_275, %dma_start3A_276] : memref<8x1024xf32, #tpu.memory_space<vmem>> -> memref<1x1024xf32, #tpu.memory_space<vmem>>
    tpu.enqueue_dma source(%dma_start3A_277 : memref<1x1024xf32, #tpu.memory_space<vmem>>) target(%dma_start3A_274 : memref<1x1024xf32, #tpu.memory_space<hbm>>) target_semaphore(%arg7 : memref<!tpu.dma_semaphore, #tpu.memory_space<semaphore_mem>>)
    %mul3A_278 = arith.constant 8 : i32
    %mul3A_279 = arith.muli %arg1, %mul3A_278 : i32
    %add3A_280 = arith.constant 7 : i32
    %add3A_281 = arith.addi %mul3A_279, %add3A_280 : i32
    %mul3A_282 = arith.constant 4095 : i32
    %mul3A_283 = arith.muli %add3A_281, %mul3A_282 : i32
    %jit3A_284 = arith.constant 127 : i32
    %div3A_285 = arith.divsi %mul3A_283, %jit3A_284 : i32
    %sign3A_286 = arith.constant 0 : i32
    %sign3A_287 = arith.cmpi sgt, %mul3A_283, %sign3A_286 : i32
    %sign3A_288 = arith.extui %sign3A_287 : i1 to i32
    %sign3A_289 = arith.constant 0 : i32
    %sign3A_290 = arith.cmpi slt, %mul3A_283, %sign3A_289 : i32
    %sign3A_291 = arith.extui %sign3A_290 : i1 to i32
    %sign3A_292 = arith.subi %sign3A_288, %sign3A_291 : i32
    %sign3A_293 = arith.constant 0 : i32
    %sign3A_294 = arith.cmpi sgt, %jit3A_284, %sign3A_293 : i32
    %sign3A_295 = arith.extui %sign3A_294 : i1 to i32
    %sign3A_296 = arith.constant 0 : i32
    %sign3A_297 = arith.cmpi slt, %jit3A_284, %sign3A_296 : i32
    %sign3A_298 = arith.extui %sign3A_297 : i1 to i32
    %sign3A_299 = arith.subi %sign3A_295, %sign3A_298 : i32
    %ne3A_300 = arith.cmpi ne, %sign3A_292, %sign3A_299 : i32
    %rem3A_301 = arith.remsi %mul3A_283, %jit3A_284 : i32
    %ne3A_302 = arith.constant 0 : i32
    %ne3A_303 = arith.cmpi ne, %rem3A_301, %ne3A_302 : i32
    %and3A_304 = arith.andi %ne3A_300, %ne3A_303 : i1
    %sub3A_305 = arith.constant 1 : i32
    %sub3A_306 = arith.subi %div3A_285, %sub3A_305 : i32
    %select_n3A_307 = arith.select %and3A_304, %sub3A_306, %div3A_285 : i32
    %dma_start3A_308 = arith.constant 7 : i32
    %dma_start3A_309 = arith.constant 0 : i32
    %dma_start3A_310 = tpu.memref_slice %arg5[%dma_start3A_308, %dma_start3A_309] : memref<8x1024xf32, #tpu.memory_space<vmem>> -> memref<1x1024xf32, #tpu.memory_space<vmem>>
    %dma_start3A_311 = arith.constant 0 : i32
    %dma_start3A_312 = tpu.memref_slice %arg3[%select_n3A_307, %dma_start3A_311] : memref<4096x1024xf32, #tpu.memory_space<hbm>> -> memref<1x1024xf32, #tpu.memory_space<hbm>>
    %dma_start3A_313 = arith.constant 0 : i32
    %dma_start3A_314 = tpu.memref_slice %arg3[%select_n3A_307, %dma_start3A_313] : memref<4096x1024xf32, #tpu.memory_space<hbm>> -> memref<1x1024xf32, #tpu.memory_space<hbm>>
    %dma_start3A_315 = arith.constant 7 : i32
    %dma_start3A_316 = arith.constant 0 : i32
    %dma_start3A_317 = tpu.memref_slice %arg5[%dma_start3A_315, %dma_start3A_316] : memref<8x1024xf32, #tpu.memory_space<vmem>> -> memref<1x1024xf32, #tpu.memory_space<vmem>>
    tpu.enqueue_dma source(%dma_start3A_317 : memref<1x1024xf32, #tpu.memory_space<vmem>>) target(%dma_start3A_314 : memref<1x1024xf32, #tpu.memory_space<hbm>>) target_semaphore(%arg7 : memref<!tpu.dma_semaphore, #tpu.memory_space<semaphore_mem>>)
    %dma_wait3A_318 = arith.constant 0 : i32
    %dma_wait3A_319 = arith.constant 0 : i32
    %dma_wait3A_320 = tpu.memref_slice %arg5[%dma_wait3A_318, %dma_wait3A_319] : memref<8x1024xf32, #tpu.memory_space<vmem>> -> memref<1x1024xf32, #tpu.memory_space<vmem>>
    %dma_wait3A_321 = arith.constant 0 : i32
    %dma_wait3A_322 = tpu.memref_slice %arg3[%select_n3A, %dma_wait3A_321] : memref<4096x1024xf32, #tpu.memory_space<hbm>> -> memref<1x1024xf32, #tpu.memory_space<hbm>>
    %dma_wait3A_323 = arith.constant 0 : i32
    %dma_wait3A_324 = tpu.memref_slice %arg3[%select_n3A, %dma_wait3A_323] : memref<4096x1024xf32, #tpu.memory_space<hbm>> -> memref<1x1024xf32, #tpu.memory_space<hbm>>
    %dma_wait3A_325 = arith.constant 0 : i32
    %dma_wait3A_326 = arith.constant 0 : i32
    %dma_wait3A_327 = tpu.memref_slice %arg5[%dma_wait3A_325, %dma_wait3A_326] : memref<8x1024xf32, #tpu.memory_space<vmem>> -> memref<1x1024xf32, #tpu.memory_space<vmem>>
    tpu.wait_dma2 semaphore(%arg7 : memref<!tpu.dma_semaphore, #tpu.memory_space<semaphore_mem>>) src(%dma_wait3A_327 : memref<1x1024xf32, #tpu.memory_space<vmem>>) dst(%dma_wait3A_324 : memref<1x1024xf32, #tpu.memory_space<hbm>>)
    %dma_wait3A_328 = arith.constant 1 : i32
    %dma_wait3A_329 = arith.constant 0 : i32
    %dma_wait3A_330 = tpu.memref_slice %arg5[%dma_wait3A_328, %dma_wait3A_329] : memref<8x1024xf32, #tpu.memory_space<vmem>> -> memref<1x1024xf32, #tpu.memory_space<vmem>>
    %dma_wait3A_331 = arith.constant 0 : i32
    %dma_wait3A_332 = tpu.memref_slice %arg3[%select_n3A_67, %dma_wait3A_331] : memref<4096x1024xf32, #tpu.memory_space<hbm>> -> memref<1x1024xf32, #tpu.memory_space<hbm>>
    %dma_wait3A_333 = arith.constant 0 : i32
    %dma_wait3A_334 = tpu.memref_slice %arg3[%select_n3A_67, %dma_wait3A_333] : memref<4096x1024xf32, #tpu.memory_space<hbm>> -> memref<1x1024xf32, #tpu.memory_space<hbm>>
    %dma_wait3A_335 = arith.constant 1 : i32
    %dma_wait3A_336 = arith.constant 0 : i32
    %dma_wait3A_337 = tpu.memref_slice %arg5[%dma_wait3A_335, %dma_wait3A_336] : memref<8x1024xf32, #tpu.memory_space<vmem>> -> memref<1x1024xf32, #tpu.memory_space<vmem>>
    tpu.wait_dma2 semaphore(%arg7 : memref<!tpu.dma_semaphore, #tpu.memory_space<semaphore_mem>>) src(%dma_wait3A_337 : memref<1x1024xf32, #tpu.memory_space<vmem>>) dst(%dma_wait3A_334 : memref<1x1024xf32, #tpu.memory_space<hbm>>)
    %dma_wait3A_338 = arith.constant 2 : i32
    %dma_wait3A_339 = arith.constant 0 : i32
    %dma_wait3A_340 = tpu.memref_slice %arg5[%dma_wait3A_338, %dma_wait3A_339] : memref<8x1024xf32, #tpu.memory_space<vmem>> -> memref<1x1024xf32, #tpu.memory_space<vmem>>
    %dma_wait3A_341 = arith.constant 0 : i32
    %dma_wait3A_342 = tpu.memref_slice %arg3[%select_n3A_107, %dma_wait3A_341] : memref<4096x1024xf32, #tpu.memory_space<hbm>> -> memref<1x1024xf32, #tpu.memory_space<hbm>>
    %dma_wait3A_343 = arith.constant 0 : i32
    %dma_wait3A_344 = tpu.memref_slice %arg3[%select_n3A_107, %dma_wait3A_343] : memref<4096x1024xf32, #tpu.memory_space<hbm>> -> memref<1x1024xf32, #tpu.memory_space<hbm>>
    %dma_wait3A_345 = arith.constant 2 : i32
    %dma_wait3A_346 = arith.constant 0 : i32
    %dma_wait3A_347 = tpu.memref_slice %arg5[%dma_wait3A_345, %dma_wait3A_346] : memref<8x1024xf32, #tpu.memory_space<vmem>> -> memref<1x1024xf32, #tpu.memory_space<vmem>>
    tpu.wait_dma2 semaphore(%arg7 : memref<!tpu.dma_semaphore, #tpu.memory_space<semaphore_mem>>) src(%dma_wait3A_347 : memref<1x1024xf32, #tpu.memory_space<vmem>>) dst(%dma_wait3A_344 : memref<1x1024xf32, #tpu.memory_space<hbm>>)
    %dma_wait3A_348 = arith.constant 3 : i32
    %dma_wait3A_349 = arith.constant 0 : i32
    %dma_wait3A_350 = tpu.memref_slice %arg5[%dma_wait3A_348, %dma_wait3A_349] : memref<8x1024xf32, #tpu.memory_space<vmem>> -> memref<1x1024xf32, #tpu.memory_space<vmem>>
    %dma_wait3A_351 = arith.constant 0 : i32
    %dma_wait3A_352 = tpu.memref_slice %arg3[%select_n3A_147, %dma_wait3A_351] : memref<4096x1024xf32, #tpu.memory_space<hbm>> -> memref<1x1024xf32, #tpu.memory_space<hbm>>
    %dma_wait3A_353 = arith.constant 0 : i32
    %dma_wait3A_354 = tpu.memref_slice %arg3[%select_n3A_147, %dma_wait3A_353] : memref<4096x1024xf32, #tpu.memory_space<hbm>> -> memref<1x1024xf32, #tpu.memory_space<hbm>>
    %dma_wait3A_355 = arith.constant 3 : i32
    %dma_wait3A_356 = arith.constant 0 : i32
    %dma_wait3A_357 = tpu.memref_slice %arg5[%dma_wait3A_355, %dma_wait3A_356] : memref<8x1024xf32, #tpu.memory_space<vmem>> -> memref<1x1024xf32, #tpu.memory_space<vmem>>
    tpu.wait_dma2 semaphore(%arg7 : memref<!tpu.dma_semaphore, #tpu.memory_space<semaphore_mem>>) src(%dma_wait3A_357 : memref<1x1024xf32, #tpu.memory_space<vmem>>) dst(%dma_wait3A_354 : memref<1x1024xf32, #tpu.memory_space<hbm>>)
    %dma_wait3A_358 = arith.constant 4 : i32
    %dma_wait3A_359 = arith.constant 0 : i32
    %dma_wait3A_360 = tpu.memref_slice %arg5[%dma_wait3A_358, %dma_wait3A_359] : memref<8x1024xf32, #tpu.memory_space<vmem>> -> memref<1x1024xf32, #tpu.memory_space<vmem>>
    %dma_wait3A_361 = arith.constant 0 : i32
    %dma_wait3A_362 = tpu.memref_slice %arg3[%select_n3A_187, %dma_wait3A_361] : memref<4096x1024xf32, #tpu.memory_space<hbm>> -> memref<1x1024xf32, #tpu.memory_space<hbm>>
    %dma_wait3A_363 = arith.constant 0 : i32
    %dma_wait3A_364 = tpu.memref_slice %arg3[%select_n3A_187, %dma_wait3A_363] : memref<4096x1024xf32, #tpu.memory_space<hbm>> -> memref<1x1024xf32, #tpu.memory_space<hbm>>
    %dma_wait3A_365 = arith.constant 4 : i32
    %dma_wait3A_366 = arith.constant 0 : i32
    %dma_wait3A_367 = tpu.memref_slice %arg5[%dma_wait3A_365, %dma_wait3A_366] : memref<8x1024xf32, #tpu.memory_space<vmem>> -> memref<1x1024xf32, #tpu.memory_space<vmem>>
    tpu.wait_dma2 semaphore(%arg7 : memref<!tpu.dma_semaphore, #tpu.memory_space<semaphore_mem>>) src(%dma_wait3A_367 : memref<1x1024xf32, #tpu.memory_space<vmem>>) dst(%dma_wait3A_364 : memref<1x1024xf32, #tpu.memory_space<hbm>>)
    %dma_wait3A_368 = arith.constant 5 : i32
    %dma_wait3A_369 = arith.constant 0 : i32
    %dma_wait3A_370 = tpu.memref_slice %arg5[%dma_wait3A_368, %dma_wait3A_369] : memref<8x1024xf32, #tpu.memory_space<vmem>> -> memref<1x1024xf32, #tpu.memory_space<vmem>>
    %dma_wait3A_371 = arith.constant 0 : i32
    %dma_wait3A_372 = tpu.memref_slice %arg3[%select_n3A_227, %dma_wait3A_371] : memref<4096x1024xf32, #tpu.memory_space<hbm>> -> memref<1x1024xf32, #tpu.memory_space<hbm>>
    %dma_wait3A_373 = arith.constant 0 : i32
    %dma_wait3A_374 = tpu.memref_slice %arg3[%select_n3A_227, %dma_wait3A_373] : memref<4096x1024xf32, #tpu.memory_space<hbm>> -> memref<1x1024xf32, #tpu.memory_space<hbm>>
    %dma_wait3A_375 = arith.constant 5 : i32
    %dma_wait3A_376 = arith.constant 0 : i32
    %dma_wait3A_377 = tpu.memref_slice %arg5[%dma_wait3A_375, %dma_wait3A_376] : memref<8x1024xf32, #tpu.memory_space<vmem>> -> memref<1x1024xf32, #tpu.memory_space<vmem>>
    tpu.wait_dma2 semaphore(%arg7 : memref<!tpu.dma_semaphore, #tpu.memory_space<semaphore_mem>>) src(%dma_wait3A_377 : memref<1x1024xf32, #tpu.memory_space<vmem>>) dst(%dma_wait3A_374 : memref<1x1024xf32, #tpu.memory_space<hbm>>)
    %dma_wait3A_378 = arith.constant 6 : i32
    %dma_wait3A_379 = arith.constant 0 : i32
    %dma_wait3A_380 = tpu.memref_slice %arg5[%dma_wait3A_378, %dma_wait3A_379] : memref<8x1024xf32, #tpu.memory_space<vmem>> -> memref<1x1024xf32, #tpu.memory_space<vmem>>
    %dma_wait3A_381 = arith.constant 0 : i32
    %dma_wait3A_382 = tpu.memref_slice %arg3[%select_n3A_267, %dma_wait3A_381] : memref<4096x1024xf32, #tpu.memory_space<hbm>> -> memref<1x1024xf32, #tpu.memory_space<hbm>>
    %dma_wait3A_383 = arith.constant 0 : i32
    %dma_wait3A_384 = tpu.memref_slice %arg3[%select_n3A_267, %dma_wait3A_383] : memref<4096x1024xf32, #tpu.memory_space<hbm>> -> memref<1x1024xf32, #tpu.memory_space<hbm>>
    %dma_wait3A_385 = arith.constant 6 : i32
    %dma_wait3A_386 = arith.constant 0 : i32
    %dma_wait3A_387 = tpu.memref_slice %arg5[%dma_wait3A_385, %dma_wait3A_386] : memref<8x1024xf32, #tpu.memory_space<vmem>> -> memref<1x1024xf32, #tpu.memory_space<vmem>>
    tpu.wait_dma2 semaphore(%arg7 : memref<!tpu.dma_semaphore, #tpu.memory_space<semaphore_mem>>) src(%dma_wait3A_387 : memref<1x1024xf32, #tpu.memory_space<vmem>>) dst(%dma_wait3A_384 : memref<1x1024xf32, #tpu.memory_space<hbm>>)
    %dma_wait3A_388 = arith.constant 7 : i32
    %dma_wait3A_389 = arith.constant 0 : i32
    %dma_wait3A_390 = tpu.memref_slice %arg5[%dma_wait3A_388, %dma_wait3A_389] : memref<8x1024xf32, #tpu.memory_space<vmem>> -> memref<1x1024xf32, #tpu.memory_space<vmem>>
    %dma_wait3A_391 = arith.constant 0 : i32
    %dma_wait3A_392 = tpu.memref_slice %arg3[%select_n3A_307, %dma_wait3A_391] : memref<4096x1024xf32, #tpu.memory_space<hbm>> -> memref<1x1024xf32, #tpu.memory_space<hbm>>
    %dma_wait3A_393 = arith.constant 0 : i32
    %dma_wait3A_394 = tpu.memref_slice %arg3[%select_n3A_307, %dma_wait3A_393] : memref<4096x1024xf32, #tpu.memory_space<hbm>> -> memref<1x1024xf32, #tpu.memory_space<hbm>>
    %dma_wait3A_395 = arith.constant 7 : i32
    %dma_wait3A_396 = arith.constant 0 : i32
    %dma_wait3A_397 = tpu.memref_slice %arg5[%dma_wait3A_395, %dma_wait3A_396] : memref<8x1024xf32, #tpu.memory_space<vmem>> -> memref<1x1024xf32, #tpu.memory_space<vmem>>
    tpu.wait_dma2 semaphore(%arg7 : memref<!tpu.dma_semaphore, #tpu.memory_space<semaphore_mem>>) src(%dma_wait3A_397 : memref<1x1024xf32, #tpu.memory_space<vmem>>) dst(%dma_wait3A_394 : memref<1x1024xf32, #tpu.memory_space<hbm>>)
    return
  }
}

module attributes {stable_mosaic.version = 14 : i64} {
  func.func @_tc_copy_body(%arg0: i32, %arg1: memref<2048x1024xf32, #tpu.memory_space<vmem>>, %arg2: memref<2048x1024xf32, #tpu.memory_space<vmem>>) attributes {dimension_semantics = [#tpu.dimension_semantics<arbitrary>], iteration_bounds = array<i64: 2>, scalar_prefetch = 0 : i64, scratch_operands = 0 : i64, tpu.core_type = #tpu.core_type<tc>, window_params = [{transform_indices = @transform_0, window_bounds = array<i64: 2048, 1024>}, {transform_indices = @transform_1, window_bounds = array<i64: 2048, 1024>}]} {
    %get3A = arith.constant 0 : index
    %get3A_0 = arith.constant 0 : index
    %get3A_1 = vector.load %arg1[%get3A, %get3A_0] : memref<2048x1024xf32, #tpu.memory_space<vmem>>, vector<2048x1024xf32>
    %swap3A = arith.constant 0 : index
    %swap3A_2 = arith.constant 0 : index
    %swap3A_3 = vector.load %arg2[%swap3A, %swap3A_2] : memref<2048x1024xf32, #tpu.memory_space<vmem>>, vector<2048x1024xf32>
    tpu.vector_store %arg2[%swap3A, %swap3A_2], %get3A_1 {strides = array<i32>} : memref<2048x1024xf32, #tpu.memory_space<vmem>>, vector<2048x1024xf32>,
    return
  }
  func.func @transform_0(%arg0: i32) -> (i32, i32) {
    %c0_i32 = arith.constant 0 : i32
    %c0_i32_0 = arith.constant 0 : i32
    return %arg0, %c0_i32 : i32, i32
  }
  func.func @transform_1(%arg0: i32) -> (i32, i32) {
    %c0_i32 = arith.constant 0 : i32
    %c0_i32_0 = arith.constant 0 : i32
    return %arg0, %c0_i32 : i32, i32
  }
}

</mosaic_0001>

<sc_bundles>
// kernel: kernel.4.cloned.1.call-start
scs
__scs_entry_jumppad:
0x0: {  	(pc) =	sbr.rel $0x88, $3  }
0x1: {  	(tag) =	ssettag $0x0;
	lr =	simm.s32 $0x1  }
0x2: {  	[smem:$0x3F9F] =	sst lr;
	_ =	strace $0xD0000000  }
0x3: {  	_ = 	snop  }
0x4: {  	_ = 	snop  }
0x5: {  	_ = 	snop  }
0x6: {  	_ = 	snop  }
0x7: {  	_ = 	snop  }
__scs_overlays_trampoline_lowered:
0x8: {  	[smem:$0x3FAE] =	sst s0  }
0x9: {  	[smem:$0x3FAF] =	sst s1  }
0xa: {  	[smem:$0x3FB0] =	sst s2  }
0xb: {  	[smem:$0x3FB1] =	sst s3  }
0xc: {  	[smem:$0x3FB2] =	sst s4  }
0xd: {  	[smem:$0x3FB3] =	sst s5  }
0xe: {  	[smem:$0x3FB4] =	sst s6  }
0xf: {  	[smem:$0x3FB5] =	sst s7  }
0x10: {  	[smem:$0x3FB6] =	sst s8  }
0x11: {  	[smem:$0x3FB7] =	sst s9;
	s0 =	simm.s32 @!p0 $0x0  }
0x12: {  	s1 =	sld [smem:$0x3F9D];
	s0 =	simm.s32 @p0 $0x1  }
0x13: {  	[smem:$0x3FB8] =	sst s0;
	s0 =	simm.s32 @!p1 $0x0  }
0x14: {  	s2 =	sld [smem:$0x3F9C];
	s0 =	simm.s32 @p1 $0x1  }
0x15: {  	[smem:$0x3FB9] =	sst s0;
	s0 =	simm.s32 @!p2 $0x0  }
0x16: {  	s3 =	sld [smem:$0x3FDB];
	s0 =	simm.s32 @p2 $0x1  }
0x17: {  	s4 =	simm.s32 $0x1BF5;
	[smem:$0x3FBB] =	sst s0  }
0x18: {  	s0 =	sld [smem:$0x3F9E];
	_ =	swait.ge [sflag:s4], $0x0  }
0x19: {  	s7 =	sld [smem:$0x3F9F]  }
0x1a: {  	s8 =	sadd.s32 $0xFFFFE003, lr  }
0x1b: {  	s9 =	sadd.s32 $0xFFFFFEF7, lr;
	s5 =	simm.s32 $0xFFFFFFFF;
	p2 =	slt.u32 s8, $0xFFFFF086  }
0x1c: {  	p1 =	slt.u32 s9, $0xF7A;
	s5 =	simm.s32 @!p2 $0x0  }
0x1d: {  	s5 =	simm.s32 @p1 $0x1;
	p0 =	seq.s32 s7, s2  }
0x1e: {  	s7 =	smul.u32 @!p0 $0xF7A, s2;
	p2 =	seq.s32 @!p0 s5, $0x0  }
0x1f: {  	s9 =	smul.u32 $0xF7A, s1;
	s8 =	simm.s32 @!p0 $0x1BF5;
	p2 =	por !p2, p0  }
0x20: {  	[sflag:s8] =	ssyncset.s32 @!p0 $0xFFFFF086;
	s6 =	sadd.s32 @!p0 s3, s7;
	s7 =	simm.s32 @!p0 $0x108  }
0x21: {  	s3 =	sadd.s32 s3, s9;
	s6 =	sadd.s32 @!p0 $0x88, s6;
	s7 =	simm.s32 @p2 $0x1082  }
0x22: {  	[simem:s7], [sflag:s8] =	dma.local @!p0 [hbm:s6], $0xF7A  }
0x23: {  	s9 =	sor.u32 $0xD0000000, s2;
	s6 =	simm.s32 $0x108;
	_ =	swait.ge @!p0 [sflag:s8], $0x0  }
0x24: {  	s3 =	sadd.s32 $0x88, s3;
	s6 =	simm.s32 @!p1 $0x1082;
	[sflag:s4] =	ssyncset.s32 $0xFFFFF086  }
0x25: {  	[simem:s6], [sflag:s4] =	dma.local [hbm:s3], $0xF7A  }
0x26: {  	[smem:$0x3F9F] =	sst s1;
	(tag) =	ssettag s2;
	_ =	strace s9  }
0x27: {  	s1 =	sld [smem:$0x3FAF]  }
0x28: {  	s2 =	sld [smem:$0x3FB0]  }
0x29: {  	s4 =	sld [smem:$0x3FB2]  }
0x2a: {  	p0 =	seq.s32 s5, $0x0;
	s5 =	sld [smem:$0x3FB3]  }
0x2b: {  	s6 =	sld [smem:$0x3FB4]  }
0x2c: {  	s7 =	sld [smem:$0x3FB5]  }
0x2d: {  	s3 =	simm.s32 $0x108;
	s8 =	sld [smem:$0x3FB6]  }
0x2e: {  	s3 =	simm.s32 @!p0 $0x1082;
	s9 =	sld [smem:$0x3FB7]  }
0x2f: {  	lr =	sadd.s32 s0, s3;
	s0 =	sld [smem:$0x3FAE]  }
0x30: {  	s3 =	sld [smem:$0x3FB1]  }
0x31: {  	[smem:$0x3FBA] =	sst s10  }
0x32: {  	s10 =	sld [smem:$0x3FB8];
	_ =	sdelay $0x3  }
0x33: {  	p0 =	seq.s32 s10, $0x1;
	s10 =	sld [smem:$0x3FBA];
	_ =	sdelay $0x3  }
0x34: {  	[smem:$0x3FBA] =	sst s10  }
0x35: {  	s10 =	sld [smem:$0x3FB9];
	_ =	sdelay $0x3  }
0x36: {  	p1 =	seq.s32 s10, $0x1;
	s10 =	sld [smem:$0x3FBA];
	_ =	sdelay $0x3  }
0x37: {  	[smem:$0x3FBA] =	sst s10  }
0x38: {  	s10 =	sld [smem:$0x3FBB]  }
0x39: {  	_ = 	snop;
	(pc) =	sbr.ind lr, $3  }
0x3a: {  	_ = 	snop  }
0x3b: {  	_ = 	snop  }
0x3c: {  	p2 =	seq.s32 s10, $0x1;
	s10 =	sld [smem:$0x3FBA]  }
0x3d: {  	_ =	shalt  }
0x3e: {  	_ =	shalt  }
0x3f: {  	_ =	shalt  }
0x40: {  	_ =	shalt  }
0x41: {  	_ =	shalt  }
0x42: {  	_ =	shalt  }
0x43: {  	_ =	shalt  }
0x44: {  	_ =	shalt  }
0x45: {  	_ =	shalt  }
0x46: {  	_ =	shalt  }
0x47: {  	_ =	shalt  }
0x48: {  	_ =	shalt  }
0x49: {  	_ =	shalt  }
0x4a: {  	_ =	shalt  }
0x4b: {  	_ =	shalt  }
0x4c: {  	_ =	shalt  }
0x4d: {  	_ =	shalt  }
0x4e: {  	_ =	shalt  }
0x4f: {  	_ =	shalt  }
0x50: {  	_ =	shalt  }
0x51: {  	_ =	shalt  }
0x52: {  	_ =	shalt  }
0x53: {  	_ =	shalt  }
0x54: {  	_ =	shalt  }
0x55: {  	_ =	shalt  }
0x56: {  	_ =	shalt  }
0x57: {  	_ =	shalt  }
0x58: {  	_ =	shalt  }
0x59: {  	_ =	shalt  }
0x5a: {  	_ =	shalt  }
0x5b: {  	_ =	shalt  }
0x5c: {  	_ =	shalt  }
0x5d: {  	_ =	shalt  }
0x5e: {  	_ =	shalt  }
0x5f: {  	_ =	shalt  }
0x60: {  	_ =	shalt  }
0x61: {  	_ =	shalt  }
0x62: {  	_ =	shalt  }
0x63: {  	_ =	shalt  }
0x64: {  	_ =	shalt  }
0x65: {  	_ =	shalt  }
0x66: {  	_ =	shalt  }
0x67: {  	_ =	shalt  }
0x68: {  	_ =	shalt  }
0x69: {  	_ =	shalt  }
0x6a: {  	_ =	shalt  }
0x6b: {  	_ =	shalt  }
0x6c: {  	_ =	shalt  }
0x6d: {  	_ =	shalt  }
0x6e: {  	_ =	shalt  }
0x6f: {  	_ =	shalt  }
0x70: {  	_ =	shalt  }
0x71: {  	_ =	shalt  }
0x72: {  	_ =	shalt  }
0x73: {  	_ =	shalt  }
0x74: {  	_ =	shalt  }
0x75: {  	_ =	shalt  }
0x76: {  	_ =	shalt  }
0x77: {  	_ =	shalt  }
0x78: {  	_ =	shalt  }
0x79: {  	_ =	shalt  }
0x7a: {  	_ =	shalt  }
0x7b: {  	_ =	shalt  }
0x7c: {  	_ =	shalt  }
0x7d: {  	_ =	shalt  }
0x7e: {  	_ =	shalt  }
0x7f: {  	_ =	shalt  }
0x80: {  	_ =	shalt  }
0x81: {  	_ =	shalt  }
0x82: {  	_ =	shalt  }
0x83: {  	_ =	shalt  }
0x84: {  	_ =	shalt  }
0x85: {  	_ =	shalt  }
0x86: {  	_ =	shalt  }
0x87: {  	_ =	shalt  }
.Lfunc_end0:
.L_simem_size_0:
called_computation_lowered:
.L_overlay_start_0:
0x88: {  	s0 =	sld [smem:$0x3FD9]  }
0x89: {  	s1 =	sld [smem:$0x3FFE];
	_ =	sdelay $0x3  }
0x8a: {  	s0 =	sadd.s32 s1, s0  }
0x8b: {  	[smem:$0x3FC6] =	sst s0  }
0x8c: {  	_ = 	snop  }
0x8d: {  	s0 =	sld [smem:$0x3FC9]  }
0x8e: {  	s17 =	sld [smem:$0x3FD0];
	(tm) =	ssettm $0x1  }
0x8f: {  	s2 =	sld [smem:$0x3FFB];
	_ =	sdelay $0x3  }
0x90: {  	_ =	strace s2  }
0x91: {  	s2 =	sld [smem:$0x3FFC];
	_ =	sdelay $0x3  }
0x92: {  	_ =	strace s2  }
0x93: {  	s2 =	sld [smem:$0x3FFD];
	_ =	sdelay $0x3  }
0x94: {  	_ =	strace s2  }
0x95: {  	_ =	strace $0x8FFFFFFF  }
0x96: {  	s18 =	sld [smem:$0x3FDB];
	_ =	sdelay $0x1  }
0x97: {  	s3 =	simm.s32 $_scs_section_size  }
0x98: {  	s4 =	simm.s32 $_size__tile_overlayer_lowered;
	s5 =	simm.s32 $_tile_overlayer_lowered  }
0x99: {  	s21 =	simm.s32 $0x1BFF;
	s20 =	sshll.u32 s5, $0x1;
	s2 =	sadd.s32 s3, s18  }
0x9a: {  	s6 =	simm.s32 $0x0;
	s19 =	sshll.u32 s4, $0x1;
	s4 =	sadd.s32 s20, s2  }
0x9b: {  	[timem:s6], [sflag:s21] =	dma.local [hbm:s4], s19  }
0x9c: {  	_ =	swait.ge [sflag:s21], s19  }
0x9d: {  	s3 =	ssub.s32 $0x0, s19;
	[sflag:s21] =	ssyncset.done $0x0  }
0x9e: {  	[sflag:s21] =	ssyncadd.s32 s3;
	_ =	sdelay $0x1  }
0x9f: {  	s22 =	simm.s32 $0x1B8B  }
0xa0: {  	_ =	swait.ge [sflag:s22], $0x1  }
0xa1: {  	[sflag:s22] =	ssyncset.done $0x0  }
0xa2: {  	s23 =	simm.s32 $0x1B8E;
	[sflag:s22] =	ssyncadd.s32 $0xFFFFFFFF  }
0xa3: {  	s24 =	simm.s32 $execute0_lowered;
	[smem:$0x3FD2] =	sst s23  }
0xa4: {  	s3 =	sshll.u32 s24, $0x1;
	_ =	strace $0x80000046;
	[dreg:$0x1] =	wrdreg $0xFFFFFFFF  }
0xa5: {  	s25 =	simm.s32 $_size_execute0_lowered;
	s2 =	sadd.s32 s2, s3;
	[dreg:$0x0] =	wrdreg $0x0  }
0xa6: {  	s3 =	sshll.u32 s25, $0x1;
	[dreg:$0x2] =	wrdreg s2  }
0xa7: {  	[dreg:$0x3] =	wrdreg s3  }
0xa8: {  	[dreg:$0x4] =	wrdreg $0xC0  }
0xa9: {  	_ =	task [dreg:s6], $0x5FFFF  }
0xaa: {  	[dreg:$0x1] =	wrdreg $0xFFFFFFFF  }
0xab: {  	[dreg:$0x0] =	wrdreg $0x60  }
0xac: {  	[dreg:$0x2] =	wrdreg s0  }
0xad: {  	[dreg:$0x3] =	wrdreg s17  }
0xae: {  	[dreg:$0x4] =	wrdreg $0x9  }
0xaf: {  	_ =	task.clear_ibuf [dreg:s6], $0x5FFFF;
	_ =	strace $0x90000046  }
0xb0: {  	s26 =	simm.s32 $0x9;
	_ =	strace $0x80000048  }
0xb1: {  	_ =	swait.ge [sflag:s26], $0x1  }
0xb2: {  	[sflag:s26] =	ssyncadd.s32 $0xFFFFFFFF  }
0xb3: {  	_ =	strace $0x90000048  }
0xb4: {  	_ =	sfence  }
0xb5: {  	s28 =	sld [smem:$0x0];
	_ =	sdelay $0x1  }
0xb6: {  	s29 =	srdreg.scid  }
0xb7: {  	s30 =	sshll.u32 s29, $0xD;
	s31 =	sshrl.u32 s29, $0x2  }
0xb8: {  	s1 =	sand.u32 $0x1, s29;
	s2 =	sand.u32 $0x4000, s30;
	s0 =	sadd.s32 s31, s28  }
0xb9: {  	s1 =	sor.u32 s2, s1;
	s0 =	sshll.u32 s0, $0x11  }
0xba: {  	s0 =	sor.u32 s0, s1  }
0xbb: {  	s0 =	sadd.s32 $0x8F2B, s0  }
0xbc: {  	[sflag:s0] =	ssyncadd.remote.s32 $0x1  }
0xbd: {  	_ =	sfence.sel $0xFFFF  }
0xbe: {  	[dreg:$0x0] =	wrdreg $0xFFFFFFFF;
	(pc) =	sbr.abs _section_cstart, $3  }
0xbf: {  	[dreg:$0x1] =	wrdreg $0xFFFFFFFF  }
0xc0: {  	_ =	task.clear_ibuf [dreg:s6], $0x2FFFF;
	_ =	strace $0x9FFFFFFF  }
0xc1: {  	(tm) =	ssettm $0x7FFFFFFF  }
tec
execute0_lowered:
.L_overlay_start_1:
0x0: {  	(tag) =	ssettag $0x1  }
0x1: {  	s5 =	rddreg [dreg:$0x0]  }
0x2: {  	s3 =	rddreg [dreg:$0x1];
	s1 =	stileid.u32  }
0x3: {  	s0 =	rddreg [dreg:$0x2];
	s2 =	simm.s32 $0x0;
	s4 =	smul.u32 $0x7FF8, s1  }
0x4: {  	[smem:$0x7FF] =	sst s2;
	s6 =	sshll.u32 s1, $0xA  }
0x5: {  	_ =	strace $0x80000047;
	s5 =	sadd.s32 s5, s6;
	s24 =	smulhi.u32 $0x2040811, s4  }
0x6: {  	[tilespmem:s2], [sflag:$0x1] =	stream.linear.gather [hbm4b:s5+s2], $0x2000, $0x38;
	[tilespmem:$0x2000] =	vst v63  }
0x7: {  	s7 =	simm.s32 $0x1;
	s25 =	sshll.u32 s24, $0x4  }
0x8: {  	_ =	swait.ge [sflag:s7], $0x2000;
	s6 =	sshll.u32 s24, $0x7;
	s5 =	sand.u32 $0x70, s25  }
0x9: {  	[sflag:s7] =	ssyncset.done $0x0;
	s6 =	sand.u32 $0xFFC00, s6;
	s5 =	sadd.s32 s3, s5  }
0xa: {  	[sflag:s7] =	ssyncadd.s32 $0xFFFFE000;
	s5 =	sadd.s32 s6, s5  }
0xb: {  	[hbm4b:s5+s2] =	stream.linear.scatter [tilespmem:s2], [sflag:$0x2], $0x80, $0x38;
	[tilespmem:$0x2000] =	vst v63  }
0xc: {  	s26 =	simm.s32 $0x400;
	s6 =	sadd.s32 $0x80, s5  }
0xd: {  	[hbm4b:s6+s2] =	stream.linear.scatter [tilespmem:s26], [sflag:$0x2], $0x80, $0x38;
	[tilespmem:$0x2000] =	vst v63  }
0xe: {  	s29 =	simm.s32 $0x800;
	s28 =	sadd.s32 $0x100, s5  }
0xf: {  	[hbm4b:s28+s2] =	stream.linear.scatter [tilespmem:s29], [sflag:$0x2], $0x80, $0x38;
	[tilespmem:$0x2000] =	vst v63  }
0x10: {  	s31 =	simm.s32 $0xC00;
	s30 =	sadd.s32 $0x180, s5  }
0x11: {  	[hbm4b:s30+s2] =	stream.linear.scatter [tilespmem:s31], [sflag:$0x2], $0x80, $0x38;
	[tilespmem:$0x2000] =	vst v63  }
0x12: {  	s8 =	simm.s32 $0x1000;
	s7 =	sadd.s32 $0x200, s5  }
0x13: {  	[hbm4b:s7+s2] =	stream.linear.scatter [tilespmem:s8], [sflag:$0x2], $0x80, $0x38;
	[tilespmem:$0x2000] =	vst v63  }
0x14: {  	s10 =	simm.s32 $0x1400;
	s13 =	sadd.s32 $0xFFF, s4;
	s9 =	sadd.s32 $0x280, s5  }
0x15: {  	[hbm4b:s9+s2] =	stream.linear.scatter [tilespmem:s10], [sflag:$0x2], $0x80, $0x38;
	[tilespmem:$0x2000] =	vst v63  }
0x16: {  	s12 =	simm.s32 $0x1800;
	s11 =	sadd.s32 $0x300, s5;
	s6 =	smulhi.u32 $0x2040811, s13  }
0x17: {  	[hbm4b:s11+s2] =	stream.linear.scatter [tilespmem:s12], [sflag:$0x2], $0x80, $0x38;
	[tilespmem:$0x2000] =	vst v63  }
0x18: {  	s14 =	simm.s32 $0x1C00;
	s5 =	sadd.s32 $0x380, s5;
	s15 =	sshll.u32 s6, $0x4  }
0x19: {  	[hbm4b:s5+s2] =	stream.linear.scatter [tilespmem:s14], [sflag:$0x2], $0x80, $0x38;
	[tilespmem:$0x2000] =	vst v63  }
0x1a: {  	s6 =	sshll.u32 s6, $0x7;
	s5 =	sand.u32 $0x70, s15  }
0x1b: {  	s6 =	sand.u32 $0x1FFC00, s6;
	s5 =	sadd.s32 s3, s5  }
0x1c: {  	s16 =	simm.s32 $0x80;
	s5 =	sadd.s32 s6, s5  }
0x1d: {  	[hbm4b:s5+s2] =	stream.linear.scatter [tilespmem:s16], [sflag:$0x2], $0x80, $0x38;
	[tilespmem:$0x2000] =	vst v63  }
0x1e: {  	s18 =	simm.s32 $0x480;
	s17 =	sadd.s32 $0x80, s5  }
0x1f: {  	[hbm4b:s17+s2] =	stream.linear.scatter [tilespmem:s18], [sflag:$0x2], $0x80, $0x38;
	[tilespmem:$0x2000] =	vst v63  }
0x20: {  	s20 =	simm.s32 $0x880;
	s19 =	sadd.s32 $0x100, s5  }
0x21: {  	[hbm4b:s19+s2] =	stream.linear.scatter [tilespmem:s20], [sflag:$0x2], $0x80, $0x38;
	[tilespmem:$0x2000] =	vst v63  }
0x22: {  	s22 =	simm.s32 $0xC80;
	s21 =	sadd.s32 $0x180, s5  }
0x23: {  	[hbm4b:s21+s2] =	stream.linear.scatter [tilespmem:s22], [sflag:$0x2], $0x80, $0x38;
	[tilespmem:$0x2000] =	vst v63  }
0x24: {  	s24 =	simm.s32 $0x1080;
	s23 =	sadd.s32 $0x200, s5  }
0x25: {  	[hbm4b:s23+s2] =	stream.linear.scatter [tilespmem:s24], [sflag:$0x2], $0x80, $0x38;
	[tilespmem:$0x2000] =	vst v63  }
0x26: {  	s26 =	simm.s32 $0x1480;
	s30 =	sadd.s32 $0x1FFE, s4;
	s25 =	sadd.s32 $0x280, s5  }
0x27: {  	[hbm4b:s25+s2] =	stream.linear.scatter [tilespmem:s26], [sflag:$0x2], $0x80, $0x38;
	[tilespmem:$0x2000] =	vst v63  }
0x28: {  	s29 =	simm.s32 $0x1880;
	s6 =	smulhi.u32 $0x2040811, s30;
	s28 =	sadd.s32 $0x300, s5  }
0x29: {  	[hbm4b:s28+s2] =	stream.linear.scatter [tilespmem:s29], [sflag:$0x2], $0x80, $0x38;
	[tilespmem:$0x2000] =	vst v63  }
0x2a: {  	s31 =	simm.s32 $0x1C80;
	s5 =	sadd.s32 $0x380, s5;
	s7 =	sshll.u32 s6, $0x4  }
0x2b: {  	[hbm4b:s5+s2] =	stream.linear.scatter [tilespmem:s31], [sflag:$0x2], $0x80, $0x38;
	[tilespmem:$0x2000] =	vst v63  }
0x2c: {  	s6 =	sshll.u32 s6, $0x7;
	s5 =	sand.u32 $0x70, s7  }
0x2d: {  	s6 =	sand.u32 $0x1FFC00, s6;
	s5 =	sadd.s32 s3, s5  }
0x2e: {  	s8 =	simm.s32 $0x100;
	s5 =	sadd.s32 s6, s5  }
0x2f: {  	[hbm4b:s5+s2] =	stream.linear.scatter [tilespmem:s8], [sflag:$0x2], $0x80, $0x38;
	[tilespmem:$0x2000] =	vst v63  }
0x30: {  	s10 =	simm.s32 $0x500;
	s9 =	sadd.s32 $0x80, s5  }
0x31: {  	[hbm4b:s9+s2] =	stream.linear.scatter [tilespmem:s10], [sflag:$0x2], $0x80, $0x38;
	[tilespmem:$0x2000] =	vst v63  }
0x32: {  	s12 =	simm.s32 $0x900;
	s11 =	sadd.s32 $0x100, s5  }
0x33: {  	[hbm4b:s11+s2] =	stream.linear.scatter [tilespmem:s12], [sflag:$0x2], $0x80, $0x38;
	[tilespmem:$0x2000] =	vst v63  }
0x34: {  	s14 =	simm.s32 $0xD00;
	s13 =	sadd.s32 $0x180, s5  }
0x35: {  	[hbm4b:s13+s2] =	stream.linear.scatter [tilespmem:s14], [sflag:$0x2], $0x80, $0x38;
	[tilespmem:$0x2000] =	vst v63  }
0x36: {  	s16 =	simm.s32 $0x1100;
	s15 =	sadd.s32 $0x200, s5  }
0x37: {  	[hbm4b:s15+s2] =	stream.linear.scatter [tilespmem:s16], [sflag:$0x2], $0x80, $0x38;
	[tilespmem:$0x2000] =	vst v63  }
0x38: {  	s18 =	simm.s32 $0x1500;
	s21 =	sadd.s32 $0x2FFD, s4;
	s17 =	sadd.s32 $0x280, s5  }
0x39: {  	[hbm4b:s17+s2] =	stream.linear.scatter [tilespmem:s18], [sflag:$0x2], $0x80, $0x38;
	[tilespmem:$0x2000] =	vst v63  }
0x3a: {  	s20 =	simm.s32 $0x1900;
	s6 =	smulhi.u32 $0x2040811, s21;
	s19 =	sadd.s32 $0x300, s5  }
0x3b: {  	[hbm4b:s19+s2] =	stream.linear.scatter [tilespmem:s20], [sflag:$0x2], $0x80, $0x38;
	[tilespmem:$0x2000] =	vst v63  }
0x3c: {  	s22 =	simm.s32 $0x1D00;
	s5 =	sadd.s32 $0x380, s5;
	s23 =	sshll.u32 s6, $0x4  }
0x3d: {  	[hbm4b:s5+s2] =	stream.linear.scatter [tilespmem:s22], [sflag:$0x2], $0x80, $0x38;
	[tilespmem:$0x2000] =	vst v63  }
0x3e: {  	s6 =	sshll.u32 s6, $0x7;
	s5 =	sand.u32 $0x70, s23  }
0x3f: {  	s6 =	sand.u32 $0x1FFC00, s6;
	s5 =	sadd.s32 s3, s5  }
0x40: {  	s24 =	simm.s32 $0x180;
	s5 =	sadd.s32 s6, s5  }
0x41: {  	[hbm4b:s5+s2] =	stream.linear.scatter [tilespmem:s24], [sflag:$0x2], $0x80, $0x38;
	[tilespmem:$0x2000] =	vst v63  }
0x42: {  	s26 =	simm.s32 $0x580;
	s25 =	sadd.s32 $0x80, s5  }
0x43: {  	[hbm4b:s25+s2] =	stream.linear.scatter [tilespmem:s26], [sflag:$0x2], $0x80, $0x38;
	[tilespmem:$0x2000] =	vst v63  }
0x44: {  	s29 =	simm.s32 $0x980;
	s28 =	sadd.s32 $0x100, s5  }
0x45: {  	[hbm4b:s28+s2] =	stream.linear.scatter [tilespmem:s29], [sflag:$0x2], $0x80, $0x38;
	[tilespmem:$0x2000] =	vst v63  }
0x46: {  	s31 =	simm.s32 $0xD80;
	s30 =	sadd.s32 $0x180, s5  }
0x47: {  	[hbm4b:s30+s2] =	stream.linear.scatter [tilespmem:s31], [sflag:$0x2], $0x80, $0x38;
	[tilespmem:$0x2000] =	vst v63  }
0x48: {  	s8 =	simm.s32 $0x1180;
	s7 =	sadd.s32 $0x200, s5  }
0x49: {  	[hbm4b:s7+s2] =	stream.linear.scatter [tilespmem:s8], [sflag:$0x2], $0x80, $0x38;
	[tilespmem:$0x2000] =	vst v63  }
0x4a: {  	s10 =	simm.s32 $0x1580;
	s13 =	sadd.s32 $0x3FFC, s4;
	s9 =	sadd.s32 $0x280, s5  }
0x4b: {  	[hbm4b:s9+s2] =	stream.linear.scatter [tilespmem:s10], [sflag:$0x2], $0x80, $0x38;
	[tilespmem:$0x2000] =	vst v63  }
0x4c: {  	s12 =	simm.s32 $0x1980;
	s6 =	smulhi.u32 $0x2040811, s13;
	s11 =	sadd.s32 $0x300, s5  }
0x4d: {  	[hbm4b:s11+s2] =	stream.linear.scatter [tilespmem:s12], [sflag:$0x2], $0x80, $0x38;
	[tilespmem:$0x2000] =	vst v63  }
0x4e: {  	s14 =	simm.s32 $0x1D80;
	s5 =	sadd.s32 $0x380, s5;
	s15 =	sshll.u32 s6, $0x4  }
0x4f: {  	[hbm4b:s5+s2] =	stream.linear.scatter [tilespmem:s14], [sflag:$0x2], $0x80, $0x38;
	[tilespmem:$0x2000] =	vst v63  }
0x50: {  	s6 =	sshll.u32 s6, $0x7;
	s5 =	sand.u32 $0x70, s15  }
0x51: {  	s6 =	sand.u32 $0x1FFC00, s6;
	s5 =	sadd.s32 s3, s5  }
0x52: {  	s16 =	simm.s32 $0x200;
	s5 =	sadd.s32 s6, s5  }
0x53: {  	[hbm4b:s5+s2] =	stream.linear.scatter [tilespmem:s16], [sflag:$0x2], $0x80, $0x38;
	[tilespmem:$0x2000] =	vst v63  }
0x54: {  	s18 =	simm.s32 $0x600;
	s17 =	sadd.s32 $0x80, s5  }
0x55: {  	[hbm4b:s17+s2] =	stream.linear.scatter [tilespmem:s18], [sflag:$0x2], $0x80, $0x38;
	[tilespmem:$0x2000] =	vst v63  }
0x56: {  	s20 =	simm.s32 $0xA00;
	s19 =	sadd.s32 $0x100, s5  }
0x57: {  	[hbm4b:s19+s2] =	stream.linear.scatter [tilespmem:s20], [sflag:$0x2], $0x80, $0x38;
	[tilespmem:$0x2000] =	vst v63  }
0x58: {  	s22 =	simm.s32 $0xE00;
	s21 =	sadd.s32 $0x180, s5  }
0x59: {  	[hbm4b:s21+s2] =	stream.linear.scatter [tilespmem:s22], [sflag:$0x2], $0x80, $0x38;
	[tilespmem:$0x2000] =	vst v63  }
0x5a: {  	s24 =	simm.s32 $0x1200;
	s23 =	sadd.s32 $0x200, s5  }
0x5b: {  	[hbm4b:s23+s2] =	stream.linear.scatter [tilespmem:s24], [sflag:$0x2], $0x80, $0x38;
	[tilespmem:$0x2000] =	vst v63  }
0x5c: {  	s26 =	simm.s32 $0x1600;
	s30 =	sadd.s32 $0x4FFB, s4;
	s25 =	sadd.s32 $0x280, s5  }
0x5d: {  	[hbm4b:s25+s2] =	stream.linear.scatter [tilespmem:s26], [sflag:$0x2], $0x80, $0x38;
	[tilespmem:$0x2000] =	vst v63  }
0x5e: {  	s29 =	simm.s32 $0x1A00;
	s6 =	smulhi.u32 $0x2040811, s30;
	s28 =	sadd.s32 $0x300, s5  }
0x5f: {  	[hbm4b:s28+s2] =	stream.linear.scatter [tilespmem:s29], [sflag:$0x2], $0x80, $0x38;
	[tilespmem:$0x2000] =	vst v63  }
0x60: {  	s31 =	simm.s32 $0x1E00;
	s5 =	sadd.s32 $0x380, s5;
	s7 =	sshll.u32 s6, $0x4  }
0x61: {  	[hbm4b:s5+s2] =	stream.linear.scatter [tilespmem:s31], [sflag:$0x2], $0x80, $0x38;
	[tilespmem:$0x2000] =	vst v63  }
0x62: {  	s6 =	sshll.u32 s6, $0x7;
	s5 =	sand.u32 $0x70, s7  }
0x63: {  	s6 =	sand.u32 $0x1FFC00, s6;
	s5 =	sadd.s32 s3, s5  }
0x64: {  	s8 =	simm.s32 $0x280;
	s5 =	sadd.s32 s6, s5  }
0x65: {  	[hbm4b:s5+s2] =	stream.linear.scatter [tilespmem:s8], [sflag:$0x2], $0x80, $0x38;
	[tilespmem:$0x2000] =	vst v63  }
0x66: {  	s10 =	simm.s32 $0x680;
	s9 =	sadd.s32 $0x80, s5  }
0x67: {  	[hbm4b:s9+s2] =	stream.linear.scatter [tilespmem:s10], [sflag:$0x2], $0x80, $0x38;
	[tilespmem:$0x2000] =	vst v63  }
0x68: {  	s12 =	simm.s32 $0xA80;
	s11 =	sadd.s32 $0x100, s5  }
0x69: {  	[hbm4b:s11+s2] =	stream.linear.scatter [tilespmem:s12], [sflag:$0x2], $0x80, $0x38;
	[tilespmem:$0x2000] =	vst v63  }
0x6a: {  	s14 =	simm.s32 $0xE80;
	s13 =	sadd.s32 $0x180, s5  }
0x6b: {  	[hbm4b:s13+s2] =	stream.linear.scatter [tilespmem:s14], [sflag:$0x2], $0x80, $0x38;
	[tilespmem:$0x2000] =	vst v63  }
0x6c: {  	s16 =	simm.s32 $0x1280;
	s15 =	sadd.s32 $0x200, s5  }
0x6d: {  	[hbm4b:s15+s2] =	stream.linear.scatter [tilespmem:s16], [sflag:$0x2], $0x80, $0x38;
	[tilespmem:$0x2000] =	vst v63  }
0x6e: {  	s18 =	simm.s32 $0x1680;
	s21 =	sadd.s32 $0x5FFA, s4;
	s17 =	sadd.s32 $0x280, s5  }
0x6f: {  	[hbm4b:s17+s2] =	stream.linear.scatter [tilespmem:s18], [sflag:$0x2], $0x80, $0x38;
	[tilespmem:$0x2000] =	vst v63  }
0x70: {  	s20 =	simm.s32 $0x1A80;
	s6 =	smulhi.u32 $0x2040811, s21;
	s19 =	sadd.s32 $0x300, s5  }
0x71: {  	[hbm4b:s19+s2] =	stream.linear.scatter [tilespmem:s20], [sflag:$0x2], $0x80, $0x38;
	[tilespmem:$0x2000] =	vst v63  }
0x72: {  	s22 =	simm.s32 $0x1E80;
	s5 =	sadd.s32 $0x380, s5;
	s23 =	sshll.u32 s6, $0x4  }
0x73: {  	[hbm4b:s5+s2] =	stream.linear.scatter [tilespmem:s22], [sflag:$0x2], $0x80, $0x38;
	[tilespmem:$0x2000] =	vst v63  }
0x74: {  	s6 =	sshll.u32 s6, $0x7;
	s5 =	sand.u32 $0x70, s23  }
0x75: {  	s6 =	sand.u32 $0x1FFC00, s6;
	s5 =	sadd.s32 s3, s5  }
0x76: {  	s24 =	simm.s32 $0x300;
	s5 =	sadd.s32 s6, s5  }
0x77: {  	[hbm4b:s5+s2] =	stream.linear.scatter [tilespmem:s24], [sflag:$0x2], $0x80, $0x38;
	[tilespmem:$0x2000] =	vst v63  }
0x78: {  	s26 =	simm.s32 $0x700;
	s25 =	sadd.s32 $0x80, s5  }
0x79: {  	[hbm4b:s25+s2] =	stream.linear.scatter [tilespmem:s26], [sflag:$0x2], $0x80, $0x38;
	[tilespmem:$0x2000] =	vst v63  }
0x7a: {  	s29 =	simm.s32 $0xB00;
	s28 =	sadd.s32 $0x100, s5  }
0x7b: {  	[hbm4b:s28+s2] =	stream.linear.scatter [tilespmem:s29], [sflag:$0x2], $0x80, $0x38;
	[tilespmem:$0x2000] =	vst v63  }
0x7c: {  	s31 =	simm.s32 $0xF00;
	s30 =	sadd.s32 $0x180, s5  }
0x7d: {  	[hbm4b:s30+s2] =	stream.linear.scatter [tilespmem:s31], [sflag:$0x2], $0x80, $0x38;
	[tilespmem:$0x2000] =	vst v63  }
0x7e: {  	s9 =	simm.s32 $0x1300;
	s8 =	sadd.s32 $0x200, s5  }
0x7f: {  	[hbm4b:s8+s2] =	stream.linear.scatter [tilespmem:s9], [sflag:$0x2], $0x80, $0x38;
	[tilespmem:$0x2000] =	vst v63  }
0x80: {  	s4 =	sadd.s32 $0x6FF9, s4;
	s11 =	simm.s32 $0x1700;
	s10 =	sadd.s32 $0x280, s5  }
0x81: {  	[hbm4b:s10+s2] =	stream.linear.scatter [tilespmem:s11], [sflag:$0x2], $0x80, $0x38;
	[tilespmem:$0x2000] =	vst v63  }
0x82: {  	s4 =	smulhi.u32 $0x2040811, s4;
	s13 =	simm.s32 $0x1B00;
	s12 =	sadd.s32 $0x300, s5  }
0x83: {  	[hbm4b:s12+s2] =	stream.linear.scatter [tilespmem:s13], [sflag:$0x2], $0x80, $0x38;
	[tilespmem:$0x2000] =	vst v63  }
0x84: {  	s14 =	simm.s32 $0x1F00;
	s15 =	sshll.u32 s4, $0x4;
	s5 =	sadd.s32 $0x380, s5  }
0x85: {  	[hbm4b:s5+s2] =	stream.linear.scatter [tilespmem:s14], [sflag:$0x2], $0x80, $0x38;
	[tilespmem:$0x2000] =	vst v63  }
0x86: {  	s4 =	sshll.u32 s4, $0x7;
	s5 =	sand.u32 $0x70, s15  }
0x87: {  	s4 =	sand.u32 $0x1FFC00, s4;
	s3 =	sadd.s32 s3, s5  }
0x88: {  	s16 =	simm.s32 $0x380;
	s3 =	sadd.s32 s4, s3  }
0x89: {  	[hbm4b:s3+s2] =	stream.linear.scatter [tilespmem:s16], [sflag:$0x2], $0x80, $0x38;
	[tilespmem:$0x2000] =	vst v63  }
0x8a: {  	s18 =	simm.s32 $0x780;
	s17 =	sadd.s32 $0x80, s3  }
0x8b: {  	[hbm4b:s17+s2] =	stream.linear.scatter [tilespmem:s18], [sflag:$0x2], $0x80, $0x38;
	[tilespmem:$0x2000] =	vst v63  }
0x8c: {  	s20 =	simm.s32 $0xB80;
	s19 =	sadd.s32 $0x100, s3  }
0x8d: {  	[hbm4b:s19+s2] =	stream.linear.scatter [tilespmem:s20], [sflag:$0x2], $0x80, $0x38;
	[tilespmem:$0x2000] =	vst v63  }
0x8e: {  	s22 =	simm.s32 $0xF80;
	s21 =	sadd.s32 $0x180, s3  }
0x8f: {  	[hbm4b:s21+s2] =	stream.linear.scatter [tilespmem:s22], [sflag:$0x2], $0x80, $0x38;
	[tilespmem:$0x2000] =	vst v63  }
0x90: {  	s24 =	simm.s32 $0x1380;
	s23 =	sadd.s32 $0x200, s3  }
0x91: {  	[hbm4b:s23+s2] =	stream.linear.scatter [tilespmem:s24], [sflag:$0x2], $0x80, $0x38;
	[tilespmem:$0x2000] =	vst v63  }
0x92: {  	s26 =	simm.s32 $0x1780;
	s25 =	sadd.s32 $0x280, s3  }
0x93: {  	[hbm4b:s25+s2] =	stream.linear.scatter [tilespmem:s26], [sflag:$0x2], $0x80, $0x38;
	[tilespmem:$0x2000] =	vst v63  }
0x94: {  	s29 =	simm.s32 $0x1B80;
	s28 =	sadd.s32 $0x300, s3  }
0x95: {  	[hbm4b:s28+s2] =	stream.linear.scatter [tilespmem:s29], [sflag:$0x2], $0x80, $0x38;
	[tilespmem:$0x2000] =	vst v63  }
0x96: {  	s30 =	simm.s32 $0x1F80;
	s31 =	simm.s32 $0x2;
	s3 =	sadd.s32 $0x380, s3  }
0x97: {  	[hbm4b:s3+s2] =	stream.linear.scatter [tilespmem:s30], [sflag:$0x2], $0x80, $0x38;
	[tilespmem:$0x2000] =	vst v63  }
0x98: {  	_ =	swait.ge [sflag:s31], $0x400  }
0x99: {  	[sflag:s31] =	ssyncset.done $0x0  }
0x9a: {  	[sflag:s31] =	ssyncadd.s32 $0xFFFFFC00  }
0x9b: {  	_ =	swait.ge [sflag:s31], $0x400  }
0x9c: {  	[sflag:s31] =	ssyncset.done $0x0  }
0x9d: {  	[sflag:s31] =	ssyncadd.s32 $0xFFFFFC00  }
0x9e: {  	_ =	swait.ge [sflag:s31], $0x400  }
0x9f: {  	[sflag:s31] =	ssyncset.done $0x0  }
0xa0: {  	[sflag:s31] =	ssyncadd.s32 $0xFFFFFC00  }
0xa1: {  	_ =	swait.ge [sflag:s31], $0x400  }
0xa2: {  	[sflag:s31] =	ssyncset.done $0x0  }
0xa3: {  	[sflag:s31] =	ssyncadd.s32 $0xFFFFFC00  }
0xa4: {  	_ =	swait.ge [sflag:s31], $0x400  }
0xa5: {  	[sflag:s31] =	ssyncset.done $0x0  }
0xa6: {  	[sflag:s31] =	ssyncadd.s32 $0xFFFFFC00  }
0xa7: {  	_ =	swait.ge [sflag:s31], $0x400  }
0xa8: {  	[sflag:s31] =	ssyncset.done $0x0  }
0xa9: {  	[sflag:s31] =	ssyncadd.s32 $0xFFFFFC00  }
0xaa: {  	_ =	swait.ge [sflag:s31], $0x400  }
0xab: {  	[sflag:s31] =	ssyncset.done $0x0  }
0xac: {  	[sflag:s31] =	ssyncadd.s32 $0xFFFFFC00  }
0xad: {  	_ =	swait.ge [sflag:s31], $0x400  }
0xae: {  	[sflag:s31] =	ssyncset.done $0x0  }
0xaf: {  	[sflag:s31] =	ssyncadd.s32 $0xFFFFFC00  }
0xb0: {  	_ =	sfence.sel $0x180000  }
0xb1: {  	[bflag:$0x0] =	sbarrier.arrive $0xFFFF  }
0xb2: {  	p0 =	sne.s32 s1, $0x0;
	_ =	strace $0x90000047  }
0xb3: {  	s0 =	sadd.s32 @!p0 $0x100000, s0;
	[bflag:$0x2] =	sbarrier.arrive $0xFFFF  }
0xb4: {  	[sflag:s0] =	ssyncadd.tile.s32 @!p0 $0x1;
	_ =	shalt  }
.Lfunc_end2:
_tile_overlayer_lowered:
.L_overlay_start_2:
0xb5: {  	(tag) =	ssettag $0x2  }
0xb6: {  	s0 =	rddreg [dreg:$0x0];
	s2 =	stileid.u32  }
0xb7: {  	s1 =	rddreg [dreg:$0x1];
	p0 =	sne.s32 s2, $0x0  }
0xb8: {  	s3 =	rddreg [dreg:$0x2];
	[bflag:$0x3] =	sbarrier.arrive $0xFFFF;
	s2 =	simm.s32 @!p0 $0x1C03  }
0xb9: {  	[timem:s3], [sflag:s2] =	dma.local @!p0 [hbm:s0], s1  }
0xba: {  	s0 =	simm.s32 @!p0 $0x3  }
0xbb: {  	_ =	swait.ge @!p0 [sflag:s0], s1  }
0xbc: {  	s1 =	ssub.s32 @!p0 $0x0, s1;
	[sflag:s0] =	ssyncset.done @!p0 $0x0  }
0xbd: {  	[sflag:s0] =	ssyncadd.s32 @!p0 s1  }
0xbe: {  	[bflag:$0x3] =	sbarrier.arrive $0xFFFF  }
0xbf: {  	_ =	shalt  }

</sc_bundles>
